<compile_context>
chip_gen: v7x
topology: tpu7x:2x2x1
jax: 0.10.2.dev20260603
libtpu: 0.0.44.dev20260713+nightly
codegen_flags: <defaults>
</compile_context>

<pallas_src>
import functools

import jax
import jax.numpy as jnp
from jax import lax
from jax.experimental import pallas as pl
from jax.experimental.pallas import tpu as pltpu
from jax.experimental.pallas import tpu_sc as plsc

_THRESH = 0.35667494393873245
_IGNORE = 255


def _make_ce_kernel(B, C, H, W, RB):
    n_steps = B * H // RB
    h_blocks = H // RB
    SR = 16

    def body(logits_ref, labels_ref, loss_ref):
        def subtile(s, _):
            rows = pl.ds(s * SR, SR)
            lab = labels_ref[0, rows, :]
            e = jnp.zeros((SR, W), jnp.float32)
            xl = jnp.zeros((SR, W), jnp.float32)
            for c in range(C):
                xc = logits_ref[0, c, rows, :]
                e += jnp.exp(xc)
                xl = jnp.where(lab == c, xc, xl)
            nll = jnp.maximum(jnp.log(e) - xl, 0.0)
            loss_ref[rows, :] = jnp.where(lab != _IGNORE, nll, 0.0)
            return 0

        lax.fori_loop(0, RB // SR, subtile, 0)

    return pl.pallas_call(
        body,
        grid=(n_steps,),
        in_specs=[
            pl.BlockSpec((1, C, RB, W), lambda i: (i // h_blocks, 0, i % h_blocks, 0)),
            pl.BlockSpec((1, RB, W), lambda i: (i // h_blocks, i % h_blocks, 0)),
        ],
        out_specs=pl.BlockSpec((RB, W), lambda i: (i, 0)),
        out_shape=jax.ShapeDtypeStruct((B * H, W), jnp.float32),
    )


def _sc_selection(loss_flat, n):
    NW = 32
    per_w = n // NW
    mesh = plsc.VectorSubcoreMesh(core_axis_name="c", subcore_axis_name="s")

    @functools.partial(
        pl.kernel,
        mesh=mesh,
        out_type=jax.ShapeDtypeStruct((NW, 2, 16), jnp.float32),
        scratch_types=[
            pltpu.VMEM((per_w,), jnp.float32),
            pltpu.VMEM((2, 16), jnp.float32),
        ],
    )
    def k(loss_hbm, out_hbm, buf, part):
        wid = lax.axis_index("s") * 2 + lax.axis_index("c")
        pltpu.sync_copy(loss_hbm.at[pl.ds(wid * per_w, per_w)], buf)

        thr = jnp.full((16,), _THRESH, jnp.float32)
        zero = jnp.zeros((16,), jnp.float32)
        one = jnp.ones((16,), jnp.float32)

        def body(j, carry):
            cntv, sumv = carry
            x = buf[pl.ds(j * 16, 16)]
            selm = x > thr
            return (cntv + jnp.where(selm, one, zero),
                    sumv + jnp.where(selm, x, zero))

        z = jnp.zeros((16,), jnp.float32)
        cntv, sumv = lax.fori_loop(0, per_w // 16, body, (z, z))
        part[0, :] = cntv
        part[1, :] = sumv
        pltpu.sync_copy(part, out_hbm.at[wid])

    return k(loss_flat)


def _topk_kernel(loss_ref, out_ref, *, k, n_chunks, chunk_rows):
    def count_ge(t_bits):
        def body(j, acc):
            x = loss_ref[pl.ds(j * chunk_rows, chunk_rows), :]
            b = lax.bitcast_convert_type(x, jnp.uint32)
            return acc + jnp.sum((b >= t_bits).astype(jnp.int32))
        return lax.fori_loop(0, n_chunks, body, jnp.int32(0))

    def bit_body(i, t_bits):
        shift = jnp.uint32(30) - i.astype(jnp.uint32)
        cand = t_bits | lax.shift_left(jnp.uint32(1), shift)
        return lax.select(count_ge(cand) >= k, cand, t_bits)

    t_bits = lax.fori_loop(0, 31, bit_body, jnp.uint32(0))

    def final_body(j, carry):
        cg, sg = carry
        x = loss_ref[pl.ds(j * chunk_rows, chunk_rows), :]
        b = lax.bitcast_convert_type(x, jnp.uint32)
        gt = b > t_bits
        return (cg + jnp.sum(gt.astype(jnp.float32)),
                sg + jnp.sum(jnp.where(gt, x, 0.0)))

    cg, sg = lax.fori_loop(0, n_chunks, final_body,
                           (jnp.float32(0.0), jnp.float32(0.0)))
    t_val = lax.bitcast_convert_type(t_bits, jnp.float32)
    out_ref[...] = jnp.full((1, 1), sg + (jnp.float32(k) - cg) * t_val)


def kernel(logits, labels):
    B, C, H, W = logits.shape
    n_rows = B * H
    n = n_rows * W
    min_kpt = 100000 * B

    loss = _make_ce_kernel(B, C, H, W, 256)(logits, labels)
    partials = _sc_selection(loss.reshape(n), n)
    cnt = jnp.sum(partials[:, 0, :])
    s = jnp.sum(partials[:, 1, :])

    def branch_thr(_):
        return s / jnp.maximum(cnt, 1.0)

    def branch_top(loss_2d):
        topk = pl.pallas_call(
            functools.partial(_topk_kernel, k=min_kpt, n_chunks=n_rows // 64,
                              chunk_rows=64),
            out_shape=jax.ShapeDtypeStruct((1, 1), jnp.float32),
        )(loss_2d)
        return topk[0, 0] / jnp.float32(min_kpt)

    return lax.cond(cnt > jnp.float32(min_kpt), branch_thr, branch_top, loss)

# --- scband reference (transcript-rebuilt; emitter-appended) ---
"""Pipeline reference for scband-ohemcross-entropy-loss-76227079569744 (READ-ONLY COPY).

The authoritative reference and input builder live on the scoring server;
editing this copy changes nothing except your own understanding.
"""

import jax, jax.numpy as jnp
import numpy as np

THRESH = float(-np.log(0.7))
MIN_KPT = 100000
IGNORE_INDEX = 255


def setup_inputs(seed: int = 0) -> dict:
    key = jax.random.key(seed)
    k1, k2 = jax.random.split(key)
    logits = jax.random.normal(k1, (4, 19, 512, 512), dtype=jnp.float32)
    labels = jax.random.randint(k2, (4, 512, 512), 0, 19, dtype=jnp.int32)
    return {"logits": logits, "labels": labels}


def reference(logits, labels):
    # per-pixel cross entropy with ignore_index, reduction='none'
    valid = labels != IGNORE_INDEX
    safe_labels = jnp.where(valid, labels, 0)
    logp = jax.nn.log_softmax(logits, axis=1)  # [B, C, H, W]
    nll = -jnp.take_along_axis(logp, safe_labels[:, None, :, :], axis=1)[:, 0]  # [B, H, W]
    loss = jnp.where(valid, nll, 0.0).reshape(-1)
    # sort descending
    sorted_loss = jnp.sort(loss)[::-1]
    min_kpt = MIN_KPT * logits.shape[0]
    n = sorted_loss.shape[0]
    cond = sorted_loss[min_kpt] > THRESH
    # branch 1: keep losses > thresh; branch 2: keep top min_kpt
    mask_thr = (sorted_loss > THRESH).astype(jnp.float32)
    mask_top = (jnp.arange(n) < min_kpt).astype(jnp.float32)
    mask = jnp.where(cond, mask_thr, mask_top)
    denom = jnp.maximum(jnp.sum(mask), 1.0)
    return jnp.sum(sorted_loss * mask) / denom

if __name__ == "__main__":
    import jax
    _d = setup_inputs()
    print(jax.jit(kernel)(*tuple(_d.values())))

</pallas_src>

<mosaic_0001>
#map = affine_map<(d0, d1) -> (0)>
#map1 = affine_map<(d0, d1) -> (0, 0, 0)>
module attributes {stable_mosaic.version = 14 : i64} {
  func.func @k(%arg0: i32, %arg1: i32, %arg2: memref<1048576xf32, #tpu.memory_space<hbm>>, %arg3: memref<32x2x16xf32, #tpu.memory_space<hbm>>, %arg4: memref<32768xf32, #tpu.memory_space<vmem>>, %arg5: memref<2x16xf32, #tpu.memory_space<vmem>>) attributes {dimension_semantics = [#tpu.dimension_semantics<core_parallel>, #tpu.dimension_semantics<subcore_parallel>], iteration_bounds = array<i64: 2, 16>, scalar_prefetch = 0 : i64, scratch_operands = 2 : i64, tpu.core_type = #tpu.core_type<sc_vector_subcore>, window_params = [{transform_indices = #map}, {transform_indices = #map1}]} {
    %mul3A = arith.constant 2 : i32
    %mul3A_0 = arith.muli %arg1, %mul3A : i32
    %add3A = arith.addi %mul3A_0, %arg0 : i32
    %mul3A_1 = arith.constant 32768 : i32
    %mul3A_2 = arith.muli %add3A, %mul3A_1 : i32
    "tpu.region"() ({
      %run_scoped3A = tpu.sem_alloc : memref<!tpu.dma_semaphore, #tpu.memory_space<semaphore_mem>>
      %dma_start3A = tpu.memref_slice %arg2[%mul3A_2] : memref<1048576xf32, #tpu.memory_space<hbm>> -> memref<32768xf32, #tpu.memory_space<hbm>>
      %dma_start3A_26 = tpu.memref_slice %arg2[%mul3A_2] : memref<1048576xf32, #tpu.memory_space<hbm>> -> memref<32768xf32, #tpu.memory_space<hbm>>
      tpu.enqueue_dma source(%dma_start3A_26 : memref<32768xf32, #tpu.memory_space<hbm>>) target(%arg4 : memref<32768xf32, #tpu.memory_space<vmem>>) target_semaphore(%run_scoped3A : memref<!tpu.dma_semaphore, #tpu.memory_space<semaphore_mem>>)
      %dma_wait3A = tpu.memref_slice %arg2[%mul3A_2] : memref<1048576xf32, #tpu.memory_space<hbm>> -> memref<32768xf32, #tpu.memory_space<hbm>>
      %dma_wait3A_27 = tpu.memref_slice %arg2[%mul3A_2] : memref<1048576xf32, #tpu.memory_space<hbm>> -> memref<32768xf32, #tpu.memory_space<hbm>>
      tpu.wait_dma2 semaphore(%run_scoped3A : memref<!tpu.dma_semaphore, #tpu.memory_space<semaphore_mem>>) src(%dma_wait3A_27 : memref<32768xf32, #tpu.memory_space<hbm>>) dst(%arg4 : memref<32768xf32, #tpu.memory_space<vmem>>)
      tpu.yield
    }) : () -> ()
    %broadcast_in_dim3A = arith.constant 0.356674939 : f32
    %broadcast_in_dim3A_3 = vector.broadcast %broadcast_in_dim3A : f32 to vector<16xf32>
    %broadcast_in_dim3A_4 = arith.constant 0.000000e+00 : f32
    %broadcast_in_dim3A_5 = vector.broadcast %broadcast_in_dim3A_4 : f32 to vector<16xf32>
    %broadcast_in_dim3A_6 = arith.constant 1.000000e+00 : f32
    %broadcast_in_dim3A_7 = vector.broadcast %broadcast_in_dim3A_6 : f32 to vector<16xf32>
    %broadcast_in_dim3A_8 = arith.constant 0.000000e+00 : f32
    %broadcast_in_dim3A_9 = vector.broadcast %broadcast_in_dim3A_8 : f32 to vector<16xf32>
    %scan3A = arith.constant 0 : i32
    %scan3A_10 = arith.constant 2048 : i32
    %scan3A_11 = arith.addi %scan3A, %scan3A_10 : i32
    %scan3A_12 = arith.constant 1 : i32
    %scan3A_13:2 = scf.for %scan3A_26 = %scan3A to %scan3A_11 step %scan3A_12 iter_args(%scan3A_27 = %broadcast_in_dim3A_9, %scan3A_28 = %broadcast_in_dim3A_9) -> (vector<16xf32>, vector<16xf32>)  : i32 {
      %mul3A_29 = arith.constant 16 : i32
      %mul3A_30 = arith.muli %scan3A_26, %mul3A_29 : i32
      %get3A = arith.index_cast %mul3A_30 : i32 to index
      %get3A_31 = tpu.vector_load %arg4[%get3A] {strides = array<i32>} : memref<32768xf32, #tpu.memory_space<vmem>>, vector<16xf32>,
      %get3A_32 = vector.shape_cast %get3A_31 : vector<16xf32> to vector<16xf32>
      %gt3A = arith.cmpf ogt, %get3A_32, %broadcast_in_dim3A_3 : vector<16xf32>
      %select_n3A = arith.select %gt3A, %broadcast_in_dim3A_7, %broadcast_in_dim3A_5 : vector<16xi1>, vector<16xf32>
      %add3A_33 = arith.addf %scan3A_27, %select_n3A : vector<16xf32>
      %select_n3A_34 = arith.select %gt3A, %get3A_32, %broadcast_in_dim3A_5 : vector<16xi1>, vector<16xf32>
      %add3A_35 = arith.addf %scan3A_28, %select_n3A_34 : vector<16xf32>
      scf.yield %add3A_33, %add3A_35 : vector<16xf32>, vector<16xf32>
    }
    %scan3A_14 = arith.constant 2048 : i32
    %swap3A = arith.constant 0 : i32
    %swap3A_15 = arith.index_cast %swap3A : i32 to index
    %swap3A_16 = arith.constant 0 : index
    %swap3A_17 = tpu.vector_load %arg5[%swap3A_15, %swap3A_16] {strides = array<i32>} : memref<2x16xf32, #tpu.memory_space<vmem>>, vector<1x16xf32>,
    %swap3A_18 = vector.shape_cast %swap3A_17 : vector<1x16xf32> to vector<16xf32>
    %swap3A_19 = vector.shape_cast %scan3A_13#0 : vector<16xf32> to vector<1x16xf32>
    tpu.vector_store %arg5[%swap3A_15, %swap3A_16], %swap3A_19 {strides = array<i32>} : memref<2x16xf32, #tpu.memory_space<vmem>>, vector<1x16xf32>,
    %swap3A_20 = arith.constant 1 : i32
    %swap3A_21 = arith.index_cast %swap3A_20 : i32 to index
    %swap3A_22 = arith.constant 0 : index
    %swap3A_23 = tpu.vector_load %arg5[%swap3A_21, %swap3A_22] {strides = array<i32>} : memref<2x16xf32, #tpu.memory_space<vmem>>, vector<1x16xf32>,
    %swap3A_24 = vector.shape_cast %swap3A_23 : vector<1x16xf32> to vector<16xf32>
    %swap3A_25 = vector.shape_cast %scan3A_13#1 : vector<16xf32> to vector<1x16xf32>
    tpu.vector_store %arg5[%swap3A_21, %swap3A_22], %swap3A_25 {strides = array<i32>} : memref<2x16xf32, #tpu.memory_space<vmem>>, vector<1x16xf32>,
    "tpu.region"() ({
      %run_scoped3A = tpu.sem_alloc : memref<!tpu.dma_semaphore, #tpu.memory_space<semaphore_mem>>
      %dma_start3A = arith.constant 0 : i32
      %dma_start3A_26 = arith.constant 0 : i32
      %dma_start3A_27 = tpu.memref_slice %arg3[%add3A, %dma_start3A, %dma_start3A_26] : memref<32x2x16xf32, #tpu.memory_space<hbm>> -> memref<1x2x16xf32, #tpu.memory_space<hbm>>
      %dma_start3A_28 = tpu.memref_squeeze %dma_start3A_27 : memref<1x2x16xf32, #tpu.memory_space<hbm>> -> memref<2x16xf32, #tpu.memory_space<hbm>>
      %dma_start3A_29 = arith.constant 0 : i32
      %dma_start3A_30 = arith.constant 0 : i32
      %dma_start3A_31 = tpu.memref_slice %arg3[%add3A, %dma_start3A_29, %dma_start3A_30] : memref<32x2x16xf32, #tpu.memory_space<hbm>> -> memref<1x2x16xf32, #tpu.memory_space<hbm>>
      %dma_start3A_32 = tpu.memref_squeeze %dma_start3A_31 : memref<1x2x16xf32, #tpu.memory_space<hbm>> -> memref<2x16xf32, #tpu.memory_space<hbm>>
      tpu.enqueue_dma source(%arg5 : memref<2x16xf32, #tpu.memory_space<vmem>>) target(%dma_start3A_32 : memref<2x16xf32, #tpu.memory_space<hbm>>) target_semaphore(%run_scoped3A : memref<!tpu.dma_semaphore, #tpu.memory_space<semaphore_mem>>)
      %dma_wait3A = arith.constant 0 : i32
      %dma_wait3A_33 = arith.constant 0 : i32
      %dma_wait3A_34 = tpu.memref_slice %arg3[%add3A, %dma_wait3A, %dma_wait3A_33] : memref<32x2x16xf32, #tpu.memory_space<hbm>> -> memref<1x2x16xf32, #tpu.memory_space<hbm>>
      %dma_wait3A_35 = tpu.memref_squeeze %dma_wait3A_34 : memref<1x2x16xf32, #tpu.memory_space<hbm>> -> memref<2x16xf32, #tpu.memory_space<hbm>>
      %dma_wait3A_36 = arith.constant 0 : i32
      %dma_wait3A_37 = arith.constant 0 : i32
      %dma_wait3A_38 = tpu.memref_slice %arg3[%add3A, %dma_wait3A_36, %dma_wait3A_37] : memref<32x2x16xf32, #tpu.memory_space<hbm>> -> memref<1x2x16xf32, #tpu.memory_space<hbm>>
      %dma_wait3A_39 = tpu.memref_squeeze %dma_wait3A_38 : memref<1x2x16xf32, #tpu.memory_space<hbm>> -> memref<2x16xf32, #tpu.memory_space<hbm>>
      tpu.wait_dma2 semaphore(%run_scoped3A : memref<!tpu.dma_semaphore, #tpu.memory_space<semaphore_mem>>) src(%arg5 : memref<2x16xf32, #tpu.memory_space<vmem>>) dst(%dma_wait3A_39 : memref<2x16xf32, #tpu.memory_space<hbm>>)
      tpu.yield
    }) : () -> ()
    return
  }
}

module attributes {stable_mosaic.version = 14 : i64} {
  func.func @_topk_kernel(%arg0: memref<2048x512xf32, #tpu.memory_space<vmem>>, %arg1: memref<1x1xf32, #tpu.memory_space<vmem>>) attributes {dimension_semantics = [], scalar_prefetch = 0 : i64, scratch_operands = 0 : i64, tpu.core_type = #tpu.core_type<tc>} {
    %scan3A = arith.constant 0 : i32
    %scan3A_0 = arith.constant 0 : i32
    %scan3A_1 = arith.constant 31 : i32
    %scan3A_2 = arith.addi %scan3A_0, %scan3A_1 : i32
    %scan3A_3 = arith.constant 1 : i32
    %scan3A_4 = scf.for %scan3A_17 = %scan3A_0 to %scan3A_2 step %scan3A_3 iter_args(%scan3A_18 = %scan3A) -> (i32)  : i32 {
      %sub3A_19 = arith.constant 30 : i32
      %sub3A_20 = arith.subi %sub3A_19, %scan3A_17 : i32
      %shift_left3A = arith.constant 1 : i32
      %shift_left3A_21 = arith.shli %shift_left3A, %sub3A_20 : i32
      %or3A = arith.ori %scan3A_18, %shift_left3A_21 : i32
      %scan3A_22 = arith.constant 0 : i32
      %scan3A_23 = arith.constant 0 : i32
      %scan3A_24 = arith.constant 32 : i32
      %scan3A_25 = arith.addi %scan3A_23, %scan3A_24 : i32
      %scan3A_26 = arith.constant 1 : i32
      %scan3A_27 = scf.for %scan3A_30 = %scan3A_23 to %scan3A_25 step %scan3A_26 iter_args(%scan3A_31 = %scan3A_22) -> (i32)  : i32 {
        %mul3A_32 = arith.constant 64 : i32
        %mul3A_33 = arith.muli %scan3A_30, %mul3A_32 : i32
        %get3A = arith.index_cast %mul3A_33 : i32 to index
        %get3A_34 = arith.constant 0 : index
        %get3A_35 = vector.load %arg0[%get3A, %get3A_34] : memref<2048x512xf32, #tpu.memory_space<vmem>>, vector<64x512xf32>
        %bitcast_convert_type3A_36 = tpu.bitcast %get3A_35 : vector<64x512xf32> -> vector<64x512xi32>
        %ge3A_37 = vector.broadcast %or3A : i32 to vector<64x512xi32>
        %ge3A_38 = arith.cmpi uge, %bitcast_convert_type3A_36, %ge3A_37 : vector<64x512xi32>
        %convert_element_type3A = arith.extui %ge3A_38 : vector<64x512xi1> to vector<64x512xi32>
        %reduce_sum3A = vector.shape_cast %convert_element_type3A : vector<64x512xi32> to vector<1x64x512xi32>
        %reduce_sum3A_39 = arith.constant dense<0> : vector<1xi32>
        %reduce_sum3A_40 = vector.multi_reduction <add>, %reduce_sum3A, %reduce_sum3A_39 [1, 2] : vector<1x64x512xi32> to vector<1xi32>
        %reduce_sum3A_41 = vector.shape_cast %reduce_sum3A_40 : vector<1xi32> to vector<1x1x1xi32>
        %reduce_sum3A_42 = vector.extract %reduce_sum3A_41[0, 0, 0] : i32 from vector<1x1x1xi32>
        %add3A_43 = arith.addi %scan3A_31, %reduce_sum3A_42 : i32
        scf.yield %add3A_43 : i32
      }
      %scan3A_28 = arith.constant 32 : i32
      %ge3A = arith.constant 400000 : i32
      %ge3A_29 = arith.cmpi sge, %scan3A_27, %ge3A : i32
      %select_n3A = arith.select %ge3A_29, %or3A, %scan3A_18 : i32
      scf.yield %select_n3A : i32
    }
    %scan3A_5 = arith.constant 31 : i32
    %scan3A_6 = arith.constant 0.000000e+00 : f32
    %scan3A_7 = arith.constant 0.000000e+00 : f32
    %scan3A_8 = arith.constant 0 : i32
    %scan3A_9 = arith.constant 32 : i32
    %scan3A_10 = arith.addi %scan3A_8, %scan3A_9 : i32
    %scan3A_11 = arith.constant 1 : i32
    %scan3A_12:2 = scf.for %scan3A_17 = %scan3A_8 to %scan3A_10 step %scan3A_11 iter_args(%scan3A_18 = %scan3A_6, %scan3A_19 = %scan3A_7) -> (f32, f32)  : i32 {
      %mul3A_20 = arith.constant 64 : i32
      %mul3A_21 = arith.muli %scan3A_17, %mul3A_20 : i32
      %get3A = arith.index_cast %mul3A_21 : i32 to index
      %get3A_22 = arith.constant 0 : index
      %get3A_23 = vector.load %arg0[%get3A, %get3A_22] : memref<2048x512xf32, #tpu.memory_space<vmem>>, vector<64x512xf32>
      %bitcast_convert_type3A_24 = tpu.bitcast %get3A_23 : vector<64x512xf32> -> vector<64x512xi32>
      %gt3A = vector.broadcast %scan3A_4 : i32 to vector<64x512xi32>
      %gt3A_25 = arith.cmpi ugt, %bitcast_convert_type3A_24, %gt3A : vector<64x512xi32>
      %convert_element_type3A = arith.extui %gt3A_25 : vector<64x512xi1> to vector<64x512xi32>
      %convert_element_type3A_26 = arith.sitofp %convert_element_type3A : vector<64x512xi32> to vector<64x512xf32>
      %reduce_sum3A = vector.shape_cast %convert_element_type3A_26 : vector<64x512xf32> to vector<1x64x512xf32>
      %reduce_sum3A_27 = arith.constant dense<0.000000e+00> : vector<1xf32>
      %reduce_sum3A_28 = vector.multi_reduction <add>, %reduce_sum3A, %reduce_sum3A_27 [1, 2] : vector<1x64x512xf32> to vector<1xf32>
      %reduce_sum3A_29 = vector.shape_cast %reduce_sum3A_28 : vector<1xf32> to vector<1x1x1xf32>
      %reduce_sum3A_30 = vector.extract %reduce_sum3A_29[0, 0, 0] : f32 from vector<1x1x1xf32>
      %add3A_31 = arith.addf %scan3A_18, %reduce_sum3A_30 : f32
      %jit3A = arith.constant 0.000000e+00 : f32
      %broadcast_in_dim3A_32 = vector.broadcast %jit3A : f32 to vector<64x512xf32>
      %select_n3A = arith.select %gt3A_25, %get3A_23, %broadcast_in_dim3A_32 : vector<64x512xi1>, vector<64x512xf32>
      %reduce_sum3A_33 = vector.shape_cast %select_n3A : vector<64x512xf32> to vector<1x64x512xf32>
      %reduce_sum3A_34 = arith.constant dense<0.000000e+00> : vector<1xf32>
      %reduce_sum3A_35 = vector.multi_reduction <add>, %reduce_sum3A_33, %reduce_sum3A_34 [1, 2] : vector<1x64x512xf32> to vector<1xf32>
      %reduce_sum3A_36 = vector.shape_cast %reduce_sum3A_35 : vector<1xf32> to vector<1x1x1xf32>
      %reduce_sum3A_37 = vector.extract %reduce_sum3A_36[0, 0, 0] : f32 from vector<1x1x1xf32>
      %add3A_38 = arith.addf %scan3A_19, %reduce_sum3A_37 : f32
      scf.yield %add3A_31, %add3A_38 : f32, f32
    }
    %scan3A_13 = arith.constant 32 : i32
    %bitcast_convert_type3A = arith.bitcast %scan3A_4 : i32 to f32
    %sub3A = arith.constant 4.000000e+05 : f32
    %sub3A_14 = arith.subf %sub3A, %scan3A_12#0 : f32
    %mul3A = arith.mulf %sub3A_14, %bitcast_convert_type3A : f32
    %add3A = arith.addf %scan3A_12#1, %mul3A : f32
    %broadcast_in_dim3A = vector.broadcast %add3A : f32 to vector<1x1xf32>
    %swap3A = arith.constant 0 : index
    %swap3A_15 = arith.constant 0 : index
    %swap3A_16 = vector.load %arg1[%swap3A, %swap3A_15] : memref<1x1xf32, #tpu.memory_space<vmem>>, vector<1x1xf32>
    tpu.vector_store %arg1[%swap3A, %swap3A_15], %broadcast_in_dim3A {strides = array<i32>} : memref<1x1xf32, #tpu.memory_space<vmem>>, vector<1x1xf32>,
    return
  }
}

module attributes {stable_mosaic.version = 14 : i64} {
  func.func @body(%arg0: i32, %arg1: memref<1x19x256x512xf32, #tpu.memory_space<vmem>>, %arg2: memref<1x256x512xi32, #tpu.memory_space<vmem>>, %arg3: memref<256x512xf32, #tpu.memory_space<vmem>>) attributes {dimension_semantics = [#tpu.dimension_semantics<arbitrary>], iteration_bounds = array<i64: 8>, scalar_prefetch = 0 : i64, scratch_operands = 0 : i64, tpu.core_type = #tpu.core_type<tc>, window_params = [{transform_indices = @transform_0, window_bounds = array<i64: 1, 19, 256, 512>}, {transform_indices = @transform_1, window_bounds = array<i64: 1, 256, 512>}, {transform_indices = @transform_2, window_bounds = array<i64: 256, 512>}]} {
    %scan3A = arith.constant 0 : i32
    %scan3A_0 = arith.constant 16 : i32
    %scan3A_1 = arith.addi %scan3A, %scan3A_0 : i32
    %scan3A_2 = arith.constant 1 : i32
    scf.for %scan3A_4 = %scan3A to %scan3A_1 step %scan3A_2  : i32 {
      %mul3A = arith.constant 16 : i32
      %mul3A_5 = arith.muli %scan3A_4, %mul3A : i32
      %get3A = arith.constant 0 : index
      %get3A_6 = arith.index_cast %mul3A_5 : i32 to index
      %get3A_7 = arith.constant 0 : index
      %get3A_8 = vector.load %arg2[%get3A, %get3A_6, %get3A_7] : memref<1x256x512xi32, #tpu.memory_space<vmem>>, vector<1x16x512xi32>
      %get3A_9 = vector.shape_cast %get3A_8 : vector<1x16x512xi32> to vector<16x512xi32>
      %broadcast_in_dim3A = arith.constant 0.000000e+00 : f32
      %broadcast_in_dim3A_10 = vector.broadcast %broadcast_in_dim3A : f32 to vector<16x512xf32>
      %broadcast_in_dim3A_11 = arith.constant 0.000000e+00 : f32
      %broadcast_in_dim3A_12 = vector.broadcast %broadcast_in_dim3A_11 : f32 to vector<16x512xf32>
      %get3A_13 = arith.constant 0 : index
      %get3A_14 = arith.constant 0 : index
      %get3A_15 = arith.index_cast %mul3A_5 : i32 to index
      %get3A_16 = arith.constant 0 : index
      %get3A_17 = vector.load %arg1[%get3A_13, %get3A_14, %get3A_15, %get3A_16] : memref<1x19x256x512xf32, #tpu.memory_space<vmem>>, vector<1x1x16x512xf32>
      %get3A_18 = vector.shape_cast %get3A_17 : vector<1x1x16x512xf32> to vector<16x512xf32>
      %exp3A = math.exp %get3A_18 : vector<16x512xf32>
      %add3A = arith.addf %broadcast_in_dim3A_10, %exp3A : vector<16x512xf32>
      %eq3A = arith.constant 0 : i32
      %eq3A_19 = vector.broadcast %eq3A : i32 to vector<16x512xi32>
      %eq3A_20 = arith.cmpi eq, %get3A_9, %eq3A_19 : vector<16x512xi32>
      %select_n3A = arith.select %eq3A_20, %get3A_18, %broadcast_in_dim3A_12 : vector<16x512xi1>, vector<16x512xf32>
      %get3A_21 = arith.constant 0 : index
      %get3A_22 = arith.constant 1 : index
      %get3A_23 = arith.index_cast %mul3A_5 : i32 to index
      %get3A_24 = arith.constant 0 : index
      %get3A_25 = vector.load %arg1[%get3A_21, %get3A_22, %get3A_23, %get3A_24] : memref<1x19x256x512xf32, #tpu.memory_space<vmem>>, vector<1x1x16x512xf32>
      %get3A_26 = vector.shape_cast %get3A_25 : vector<1x1x16x512xf32> to vector<16x512xf32>
      %exp3A_27 = math.exp %get3A_26 : vector<16x512xf32>
      %add3A_28 = arith.addf %add3A, %exp3A_27 : vector<16x512xf32>
      %eq3A_29 = arith.constant 1 : i32
      %eq3A_30 = vector.broadcast %eq3A_29 : i32 to vector<16x512xi32>
      %eq3A_31 = arith.cmpi eq, %get3A_9, %eq3A_30 : vector<16x512xi32>
      %select_n3A_32 = arith.select %eq3A_31, %get3A_26, %select_n3A : vector<16x512xi1>, vector<16x512xf32>
      %get3A_33 = arith.constant 0 : index
      %get3A_34 = arith.constant 2 : index
      %get3A_35 = arith.index_cast %mul3A_5 : i32 to index
      %get3A_36 = arith.constant 0 : index
      %get3A_37 = vector.load %arg1[%get3A_33, %get3A_34, %get3A_35, %get3A_36] : memref<1x19x256x512xf32, #tpu.memory_space<vmem>>, vector<1x1x16x512xf32>
      %get3A_38 = vector.shape_cast %get3A_37 : vector<1x1x16x512xf32> to vector<16x512xf32>
      %exp3A_39 = math.exp %get3A_38 : vector<16x512xf32>
      %add3A_40 = arith.addf %add3A_28, %exp3A_39 : vector<16x512xf32>
      %eq3A_41 = arith.constant 2 : i32
      %eq3A_42 = vector.broadcast %eq3A_41 : i32 to vector<16x512xi32>
      %eq3A_43 = arith.cmpi eq, %get3A_9, %eq3A_42 : vector<16x512xi32>
      %select_n3A_44 = arith.select %eq3A_43, %get3A_38, %select_n3A_32 : vector<16x512xi1>, vector<16x512xf32>
      %get3A_45 = arith.constant 0 : index
      %get3A_46 = arith.constant 3 : index
      %get3A_47 = arith.index_cast %mul3A_5 : i32 to index
      %get3A_48 = arith.constant 0 : index
      %get3A_49 = vector.load %arg1[%get3A_45, %get3A_46, %get3A_47, %get3A_48] : memref<1x19x256x512xf32, #tpu.memory_space<vmem>>, vector<1x1x16x512xf32>
      %get3A_50 = vector.shape_cast %get3A_49 : vector<1x1x16x512xf32> to vector<16x512xf32>
      %exp3A_51 = math.exp %get3A_50 : vector<16x512xf32>
      %add3A_52 = arith.addf %add3A_40, %exp3A_51 : vector<16x512xf32>
      %eq3A_53 = arith.constant 3 : i32
      %eq3A_54 = vector.broadcast %eq3A_53 : i32 to vector<16x512xi32>
      %eq3A_55 = arith.cmpi eq, %get3A_9, %eq3A_54 : vector<16x512xi32>
      %select_n3A_56 = arith.select %eq3A_55, %get3A_50, %select_n3A_44 : vector<16x512xi1>, vector<16x512xf32>
      %get3A_57 = arith.constant 0 : index
      %get3A_58 = arith.constant 4 : index
      %get3A_59 = arith.index_cast %mul3A_5 : i32 to index
      %get3A_60 = arith.constant 0 : index
      %get3A_61 = vector.load %arg1[%get3A_57, %get3A_58, %get3A_59, %get3A_60] : memref<1x19x256x512xf32, #tpu.memory_space<vmem>>, vector<1x1x16x512xf32>
      %get3A_62 = vector.shape_cast %get3A_61 : vector<1x1x16x512xf32> to vector<16x512xf32>
      %exp3A_63 = math.exp %get3A_62 : vector<16x512xf32>
      %add3A_64 = arith.addf %add3A_52, %exp3A_63 : vector<16x512xf32>
      %eq3A_65 = arith.constant 4 : i32
      %eq3A_66 = vector.broadcast %eq3A_65 : i32 to vector<16x512xi32>
      %eq3A_67 = arith.cmpi eq, %get3A_9, %eq3A_66 : vector<16x512xi32>
      %select_n3A_68 = arith.select %eq3A_67, %get3A_62, %select_n3A_56 : vector<16x512xi1>, vector<16x512xf32>
      %get3A_69 = arith.constant 0 : index
      %get3A_70 = arith.constant 5 : index
      %get3A_71 = arith.index_cast %mul3A_5 : i32 to index
      %get3A_72 = arith.constant 0 : index
      %get3A_73 = vector.load %arg1[%get3A_69, %get3A_70, %get3A_71, %get3A_72] : memref<1x19x256x512xf32, #tpu.memory_space<vmem>>, vector<1x1x16x512xf32>
      %get3A_74 = vector.shape_cast %get3A_73 : vector<1x1x16x512xf32> to vector<16x512xf32>
      %exp3A_75 = math.exp %get3A_74 : vector<16x512xf32>
      %add3A_76 = arith.addf %add3A_64, %exp3A_75 : vector<16x512xf32>
      %eq3A_77 = arith.constant 5 : i32
      %eq3A_78 = vector.broadcast %eq3A_77 : i32 to vector<16x512xi32>
      %eq3A_79 = arith.cmpi eq, %get3A_9, %eq3A_78 : vector<16x512xi32>
      %select_n3A_80 = arith.select %eq3A_79, %get3A_74, %select_n3A_68 : vector<16x512xi1>, vector<16x512xf32>
      %get3A_81 = arith.constant 0 : index
      %get3A_82 = arith.constant 6 : index
      %get3A_83 = arith.index_cast %mul3A_5 : i32 to index
      %get3A_84 = arith.constant 0 : index
      %get3A_85 = vector.load %arg1[%get3A_81, %get3A_82, %get3A_83, %get3A_84] : memref<1x19x256x512xf32, #tpu.memory_space<vmem>>, vector<1x1x16x512xf32>
      %get3A_86 = vector.shape_cast %get3A_85 : vector<1x1x16x512xf32> to vector<16x512xf32>
      %exp3A_87 = math.exp %get3A_86 : vector<16x512xf32>
      %add3A_88 = arith.addf %add3A_76, %exp3A_87 : vector<16x512xf32>
      %eq3A_89 = arith.constant 6 : i32
      %eq3A_90 = vector.broadcast %eq3A_89 : i32 to vector<16x512xi32>
      %eq3A_91 = arith.cmpi eq, %get3A_9, %eq3A_90 : vector<16x512xi32>
      %select_n3A_92 = arith.select %eq3A_91, %get3A_86, %select_n3A_80 : vector<16x512xi1>, vector<16x512xf32>
      %get3A_93 = arith.constant 0 : index
      %get3A_94 = arith.constant 7 : index
      %get3A_95 = arith.index_cast %mul3A_5 : i32 to index
      %get3A_96 = arith.constant 0 : index
      %get3A_97 = vector.load %arg1[%get3A_93, %get3A_94, %get3A_95, %get3A_96] : memref<1x19x256x512xf32, #tpu.memory_space<vmem>>, vector<1x1x16x512xf32>
      %get3A_98 = vector.shape_cast %get3A_97 : vector<1x1x16x512xf32> to vector<16x512xf32>
      %exp3A_99 = math.exp %get3A_98 : vector<16x512xf32>
      %add3A_100 = arith.addf %add3A_88, %exp3A_99 : vector<16x512xf32>
      %eq3A_101 = arith.constant 7 : i32
      %eq3A_102 = vector.broadcast %eq3A_101 : i32 to vector<16x512xi32>
      %eq3A_103 = arith.cmpi eq, %get3A_9, %eq3A_102 : vector<16x512xi32>
      %select_n3A_104 = arith.select %eq3A_103, %get3A_98, %select_n3A_92 : vector<16x512xi1>, vector<16x512xf32>
      %get3A_105 = arith.constant 0 : index
      %get3A_106 = arith.constant 8 : index
      %get3A_107 = arith.index_cast %mul3A_5 : i32 to index
      %get3A_108 = arith.constant 0 : index
      %get3A_109 = vector.load %arg1[%get3A_105, %get3A_106, %get3A_107, %get3A_108] : memref<1x19x256x512xf32, #tpu.memory_space<vmem>>, vector<1x1x16x512xf32>
      %get3A_110 = vector.shape_cast %get3A_109 : vector<1x1x16x512xf32> to vector<16x512xf32>
      %exp3A_111 = math.exp %get3A_110 : vector<16x512xf32>
      %add3A_112 = arith.addf %add3A_100, %exp3A_111 : vector<16x512xf32>
      %eq3A_113 = arith.constant 8 : i32
      %eq3A_114 = vector.broadcast %eq3A_113 : i32 to vector<16x512xi32>
      %eq3A_115 = arith.cmpi eq, %get3A_9, %eq3A_114 : vector<16x512xi32>
      %select_n3A_116 = arith.select %eq3A_115, %get3A_110, %select_n3A_104 : vector<16x512xi1>, vector<16x512xf32>
      %get3A_117 = arith.constant 0 : index
      %get3A_118 = arith.constant 9 : index
      %get3A_119 = arith.index_cast %mul3A_5 : i32 to index
      %get3A_120 = arith.constant 0 : index
      %get3A_121 = vector.load %arg1[%get3A_117, %get3A_118, %get3A_119, %get3A_120] : memref<1x19x256x512xf32, #tpu.memory_space<vmem>>, vector<1x1x16x512xf32>
      %get3A_122 = vector.shape_cast %get3A_121 : vector<1x1x16x512xf32> to vector<16x512xf32>
      %exp3A_123 = math.exp %get3A_122 : vector<16x512xf32>
      %add3A_124 = arith.addf %add3A_112, %exp3A_123 : vector<16x512xf32>
      %eq3A_125 = arith.constant 9 : i32
      %eq3A_126 = vector.broadcast %eq3A_125 : i32 to vector<16x512xi32>
      %eq3A_127 = arith.cmpi eq, %get3A_9, %eq3A_126 : vector<16x512xi32>
      %select_n3A_128 = arith.select %eq3A_127, %get3A_122, %select_n3A_116 : vector<16x512xi1>, vector<16x512xf32>
      %get3A_129 = arith.constant 0 : index
      %get3A_130 = arith.constant 10 : index
      %get3A_131 = arith.index_cast %mul3A_5 : i32 to index
      %get3A_132 = arith.constant 0 : index
      %get3A_133 = vector.load %arg1[%get3A_129, %get3A_130, %get3A_131, %get3A_132] : memref<1x19x256x512xf32, #tpu.memory_space<vmem>>, vector<1x1x16x512xf32>
      %get3A_134 = vector.shape_cast %get3A_133 : vector<1x1x16x512xf32> to vector<16x512xf32>
      %exp3A_135 = math.exp %get3A_134 : vector<16x512xf32>
      %add3A_136 = arith.addf %add3A_124, %exp3A_135 : vector<16x512xf32>
      %eq3A_137 = arith.constant 10 : i32
      %eq3A_138 = vector.broadcast %eq3A_137 : i32 to vector<16x512xi32>
      %eq3A_139 = arith.cmpi eq, %get3A_9, %eq3A_138 : vector<16x512xi32>
      %select_n3A_140 = arith.select %eq3A_139, %get3A_134, %select_n3A_128 : vector<16x512xi1>, vector<16x512xf32>
      %get3A_141 = arith.constant 0 : index
      %get3A_142 = arith.constant 11 : index
      %get3A_143 = arith.index_cast %mul3A_5 : i32 to index
      %get3A_144 = arith.constant 0 : index
      %get3A_145 = vector.load %arg1[%get3A_141, %get3A_142, %get3A_143, %get3A_144] : memref<1x19x256x512xf32, #tpu.memory_space<vmem>>, vector<1x1x16x512xf32>
      %get3A_146 = vector.shape_cast %get3A_145 : vector<1x1x16x512xf32> to vector<16x512xf32>
      %exp3A_147 = math.exp %get3A_146 : vector<16x512xf32>
      %add3A_148 = arith.addf %add3A_136, %exp3A_147 : vector<16x512xf32>
      %eq3A_149 = arith.constant 11 : i32
      %eq3A_150 = vector.broadcast %eq3A_149 : i32 to vector<16x512xi32>
      %eq3A_151 = arith.cmpi eq, %get3A_9, %eq3A_150 : vector<16x512xi32>
      %select_n3A_152 = arith.select %eq3A_151, %get3A_146, %select_n3A_140 : vector<16x512xi1>, vector<16x512xf32>
      %get3A_153 = arith.constant 0 : index
      %get3A_154 = arith.constant 12 : index
      %get3A_155 = arith.index_cast %mul3A_5 : i32 to index
      %get3A_156 = arith.constant 0 : index
      %get3A_157 = vector.load %arg1[%get3A_153, %get3A_154, %get3A_155, %get3A_156] : memref<1x19x256x512xf32, #tpu.memory_space<vmem>>, vector<1x1x16x512xf32>
      %get3A_158 = vector.shape_cast %get3A_157 : vector<1x1x16x512xf32> to vector<16x512xf32>
      %exp3A_159 = math.exp %get3A_158 : vector<16x512xf32>
      %add3A_160 = arith.addf %add3A_148, %exp3A_159 : vector<16x512xf32>
      %eq3A_161 = arith.constant 12 : i32
      %eq3A_162 = vector.broadcast %eq3A_161 : i32 to vector<16x512xi32>
      %eq3A_163 = arith.cmpi eq, %get3A_9, %eq3A_162 : vector<16x512xi32>
      %select_n3A_164 = arith.select %eq3A_163, %get3A_158, %select_n3A_152 : vector<16x512xi1>, vector<16x512xf32>
      %get3A_165 = arith.constant 0 : index
      %get3A_166 = arith.constant 13 : index
      %get3A_167 = arith.index_cast %mul3A_5 : i32 to index
      %get3A_168 = arith.constant 0 : index
      %get3A_169 = vector.load %arg1[%get3A_165, %get3A_166, %get3A_167, %get3A_168] : memref<1x19x256x512xf32, #tpu.memory_space<vmem>>, vector<1x1x16x512xf32>
      %get3A_170 = vector.shape_cast %get3A_169 : vector<1x1x16x512xf32> to vector<16x512xf32>
      %exp3A_171 = math.exp %get3A_170 : vector<16x512xf32>
      %add3A_172 = arith.addf %add3A_160, %exp3A_171 : vector<16x512xf32>
      %eq3A_173 = arith.constant 13 : i32
      %eq3A_174 = vector.broadcast %eq3A_173 : i32 to vector<16x512xi32>
      %eq3A_175 = arith.cmpi eq, %get3A_9, %eq3A_174 : vector<16x512xi32>
      %select_n3A_176 = arith.select %eq3A_175, %get3A_170, %select_n3A_164 : vector<16x512xi1>, vector<16x512xf32>
      %get3A_177 = arith.constant 0 : index
      %get3A_178 = arith.constant 14 : index
      %get3A_179 = arith.index_cast %mul3A_5 : i32 to index
      %get3A_180 = arith.constant 0 : index
      %get3A_181 = vector.load %arg1[%get3A_177, %get3A_178, %get3A_179, %get3A_180] : memref<1x19x256x512xf32, #tpu.memory_space<vmem>>, vector<1x1x16x512xf32>
      %get3A_182 = vector.shape_cast %get3A_181 : vector<1x1x16x512xf32> to vector<16x512xf32>
      %exp3A_183 = math.exp %get3A_182 : vector<16x512xf32>
      %add3A_184 = arith.addf %add3A_172, %exp3A_183 : vector<16x512xf32>
      %eq3A_185 = arith.constant 14 : i32
      %eq3A_186 = vector.broadcast %eq3A_185 : i32 to vector<16x512xi32>
      %eq3A_187 = arith.cmpi eq, %get3A_9, %eq3A_186 : vector<16x512xi32>
      %select_n3A_188 = arith.select %eq3A_187, %get3A_182, %select_n3A_176 : vector<16x512xi1>, vector<16x512xf32>
      %get3A_189 = arith.constant 0 : index
      %get3A_190 = arith.constant 15 : index
      %get3A_191 = arith.index_cast %mul3A_5 : i32 to index
      %get3A_192 = arith.constant 0 : index
      %get3A_193 = vector.load %arg1[%get3A_189, %get3A_190, %get3A_191, %get3A_192] : memref<1x19x256x512xf32, #tpu.memory_space<vmem>>, vector<1x1x16x512xf32>
      %get3A_194 = vector.shape_cast %get3A_193 : vector<1x1x16x512xf32> to vector<16x512xf32>
      %exp3A_195 = math.exp %get3A_194 : vector<16x512xf32>
      %add3A_196 = arith.addf %add3A_184, %exp3A_195 : vector<16x512xf32>
      %eq3A_197 = arith.constant 15 : i32
      %eq3A_198 = vector.broadcast %eq3A_197 : i32 to vector<16x512xi32>
      %eq3A_199 = arith.cmpi eq, %get3A_9, %eq3A_198 : vector<16x512xi32>
      %select_n3A_200 = arith.select %eq3A_199, %get3A_194, %select_n3A_188 : vector<16x512xi1>, vector<16x512xf32>
      %get3A_201 = arith.constant 0 : index
      %get3A_202 = arith.constant 16 : index
      %get3A_203 = arith.index_cast %mul3A_5 : i32 to index
      %get3A_204 = arith.constant 0 : index
      %get3A_205 = vector.load %arg1[%get3A_201, %get3A_202, %get3A_203, %get3A_204] : memref<1x19x256x512xf32, #tpu.memory_space<vmem>>, vector<1x1x16x512xf32>
      %get3A_206 = vector.shape_cast %get3A_205 : vector<1x1x16x512xf32> to vector<16x512xf32>
      %exp3A_207 = math.exp %get3A_206 : vector<16x512xf32>
      %add3A_208 = arith.addf %add3A_196, %exp3A_207 : vector<16x512xf32>
      %eq3A_209 = arith.constant 16 : i32
      %eq3A_210 = vector.broadcast %eq3A_209 : i32 to vector<16x512xi32>
      %eq3A_211 = arith.cmpi eq, %get3A_9, %eq3A_210 : vector<16x512xi32>
      %select_n3A_212 = arith.select %eq3A_211, %get3A_206, %select_n3A_200 : vector<16x512xi1>, vector<16x512xf32>
      %get3A_213 = arith.constant 0 : index
      %get3A_214 = arith.constant 17 : index
      %get3A_215 = arith.index_cast %mul3A_5 : i32 to index
      %get3A_216 = arith.constant 0 : index
      %get3A_217 = vector.load %arg1[%get3A_213, %get3A_214, %get3A_215, %get3A_216] : memref<1x19x256x512xf32, #tpu.memory_space<vmem>>, vector<1x1x16x512xf32>
      %get3A_218 = vector.shape_cast %get3A_217 : vector<1x1x16x512xf32> to vector<16x512xf32>
      %exp3A_219 = math.exp %get3A_218 : vector<16x512xf32>
      %add3A_220 = arith.addf %add3A_208, %exp3A_219 : vector<16x512xf32>
      %eq3A_221 = arith.constant 17 : i32
      %eq3A_222 = vector.broadcast %eq3A_221 : i32 to vector<16x512xi32>
      %eq3A_223 = arith.cmpi eq, %get3A_9, %eq3A_222 : vector<16x512xi32>
      %select_n3A_224 = arith.select %eq3A_223, %get3A_218, %select_n3A_212 : vector<16x512xi1>, vector<16x512xf32>
      %get3A_225 = arith.constant 0 : index
      %get3A_226 = arith.constant 18 : index
      %get3A_227 = arith.index_cast %mul3A_5 : i32 to index
      %get3A_228 = arith.constant 0 : index
      %get3A_229 = vector.load %arg1[%get3A_225, %get3A_226, %get3A_227, %get3A_228] : memref<1x19x256x512xf32, #tpu.memory_space<vmem>>, vector<1x1x16x512xf32>
      %get3A_230 = vector.shape_cast %get3A_229 : vector<1x1x16x512xf32> to vector<16x512xf32>
      %exp3A_231 = math.exp %get3A_230 : vector<16x512xf32>
      %add3A_232 = arith.addf %add3A_220, %exp3A_231 : vector<16x512xf32>
      %eq3A_233 = arith.constant 18 : i32
      %eq3A_234 = vector.broadcast %eq3A_233 : i32 to vector<16x512xi32>
      %eq3A_235 = arith.cmpi eq, %get3A_9, %eq3A_234 : vector<16x512xi32>
      %select_n3A_236 = arith.select %eq3A_235, %get3A_230, %select_n3A_224 : vector<16x512xi1>, vector<16x512xf32>
      %log3A = math.log %add3A_232 : vector<16x512xf32>
      %sub3A = arith.subf %log3A, %select_n3A_236 : vector<16x512xf32>
      %max3A = arith.constant 0.000000e+00 : f32
      %max3A_237 = vector.broadcast %max3A : f32 to vector<16x512xf32>
      %max3A_238 = arith.maximumf %sub3A, %max3A_237 : vector<16x512xf32>
      %ne3A = arith.constant 255 : i32
      %ne3A_239 = vector.broadcast %ne3A : i32 to vector<16x512xi32>
      %ne3A_240 = arith.cmpi ne, %get3A_9, %ne3A_239 : vector<16x512xi32>
      %jit3A = arith.constant 0.000000e+00 : f32
      %broadcast_in_dim3A_241 = vector.broadcast %jit3A : f32 to vector<16x512xf32>
      %select_n3A_242 = arith.select %ne3A_240, %max3A_238, %broadcast_in_dim3A_241 : vector<16x512xi1>, vector<16x512xf32>
      %swap3A = arith.index_cast %mul3A_5 : i32 to index
      %swap3A_243 = arith.constant 0 : index
      %swap3A_244 = vector.load %arg3[%swap3A, %swap3A_243] : memref<256x512xf32, #tpu.memory_space<vmem>>, vector<16x512xf32>
      tpu.vector_store %arg3[%swap3A, %swap3A_243], %select_n3A_242 {strides = array<i32>} : memref<256x512xf32, #tpu.memory_space<vmem>>, vector<16x512xf32>,
    }
    %scan3A_3 = arith.constant 16 : i32
    return
  }
  func.func @transform_0(%arg0: i32) -> (i32, i32, i32, i32) {
    %jit3A = arith.constant 2 : i32
    %div3A = arith.divsi %arg0, %jit3A : i32
    %sign3A = arith.constant 0 : i32
    %sign3A_0 = arith.cmpi sgt, %arg0, %sign3A : i32
    %sign3A_1 = arith.extui %sign3A_0 : i1 to i32
    %sign3A_2 = arith.constant 0 : i32
    %sign3A_3 = arith.cmpi slt, %arg0, %sign3A_2 : i32
    %sign3A_4 = arith.extui %sign3A_3 : i1 to i32
    %sign3A_5 = arith.subi %sign3A_1, %sign3A_4 : i32
    %sign3A_6 = arith.constant 0 : i32
    %sign3A_7 = arith.cmpi sgt, %jit3A, %sign3A_6 : i32
    %sign3A_8 = arith.extui %sign3A_7 : i1 to i32
    %sign3A_9 = arith.constant 0 : i32
    %sign3A_10 = arith.cmpi slt, %jit3A, %sign3A_9 : i32
    %sign3A_11 = arith.extui %sign3A_10 : i1 to i32
    %sign3A_12 = arith.subi %sign3A_8, %sign3A_11 : i32
    %ne3A = arith.cmpi ne, %sign3A_5, %sign3A_12 : i32
    %rem3A = arith.remsi %arg0, %jit3A : i32
    %ne3A_13 = arith.constant 0 : i32
    %ne3A_14 = arith.cmpi ne, %rem3A, %ne3A_13 : i32
    %and3A = arith.andi %ne3A, %ne3A_14 : i1
    %sub3A = arith.constant 1 : i32
    %sub3A_15 = arith.subi %div3A, %sub3A : i32
    %select_n3A = arith.select %and3A, %sub3A_15, %div3A : i32
    %jit3A_16 = arith.constant 2 : i32
    %eq3A = arith.constant 0 : i32
    %eq3A_17 = arith.cmpi eq, %jit3A_16, %eq3A : i32
    %jit3A_18 = arith.constant 1 : i32
    %select_n3A_19 = arith.select %eq3A_17, %jit3A_18, %jit3A_16 : i32
    %rem3A_20 = arith.remsi %arg0, %select_n3A_19 : i32
    %ne3A_21 = arith.constant 0 : i32
    %ne3A_22 = arith.cmpi ne, %rem3A_20, %ne3A_21 : i32
    %lt3A = arith.constant 0 : i32
    %lt3A_23 = arith.cmpi slt, %rem3A_20, %lt3A : i32
    %lt3A_24 = arith.constant 0 : i32
    %lt3A_25 = arith.cmpi slt, %select_n3A_19, %lt3A_24 : i32
    %ne3A_26 = arith.xori %lt3A_23, %lt3A_25 : i1
    %and3A_27 = arith.andi %ne3A_26, %ne3A_22 : i1
    %add3A = arith.addi %rem3A_20, %select_n3A_19 : i32
    %select_n3A_28 = arith.select %and3A_27, %add3A, %rem3A_20 : i32
    %c0_i32 = arith.constant 0 : i32
    %c0_i32_29 = arith.constant 0 : i32
    %c0_i32_30 = arith.constant 0 : i32
    return %select_n3A, %c0_i32, %select_n3A_28, %c0_i32_29 : i32, i32, i32, i32
  }
  func.func @transform_1(%arg0: i32) -> (i32, i32, i32) {
    %jit3A = arith.constant 2 : i32
    %div3A = arith.divsi %arg0, %jit3A : i32
    %sign3A = arith.constant 0 : i32
    %sign3A_0 = arith.cmpi sgt, %arg0, %sign3A : i32
    %sign3A_1 = arith.extui %sign3A_0 : i1 to i32
    %sign3A_2 = arith.constant 0 : i32
    %sign3A_3 = arith.cmpi slt, %arg0, %sign3A_2 : i32
    %sign3A_4 = arith.extui %sign3A_3 : i1 to i32
    %sign3A_5 = arith.subi %sign3A_1, %sign3A_4 : i32
    %sign3A_6 = arith.constant 0 : i32
    %sign3A_7 = arith.cmpi sgt, %jit3A, %sign3A_6 : i32
    %sign3A_8 = arith.extui %sign3A_7 : i1 to i32
    %sign3A_9 = arith.constant 0 : i32
    %sign3A_10 = arith.cmpi slt, %jit3A, %sign3A_9 : i32
    %sign3A_11 = arith.extui %sign3A_10 : i1 to i32
    %sign3A_12 = arith.subi %sign3A_8, %sign3A_11 : i32
    %ne3A = arith.cmpi ne, %sign3A_5, %sign3A_12 : i32
    %rem3A = arith.remsi %arg0, %jit3A : i32
    %ne3A_13 = arith.constant 0 : i32
    %ne3A_14 = arith.cmpi ne, %rem3A, %ne3A_13 : i32
    %and3A = arith.andi %ne3A, %ne3A_14 : i1
    %sub3A = arith.constant 1 : i32
    %sub3A_15 = arith.subi %div3A, %sub3A : i32
    %select_n3A = arith.select %and3A, %sub3A_15, %div3A : i32
    %jit3A_16 = arith.constant 2 : i32
    %eq3A = arith.constant 0 : i32
    %eq3A_17 = arith.cmpi eq, %jit3A_16, %eq3A : i32
    %jit3A_18 = arith.constant 1 : i32
    %select_n3A_19 = arith.select %eq3A_17, %jit3A_18, %jit3A_16 : i32
    %rem3A_20 = arith.remsi %arg0, %select_n3A_19 : i32
    %ne3A_21 = arith.constant 0 : i32
    %ne3A_22 = arith.cmpi ne, %rem3A_20, %ne3A_21 : i32
    %lt3A = arith.constant 0 : i32
    %lt3A_23 = arith.cmpi slt, %rem3A_20, %lt3A : i32
    %lt3A_24 = arith.constant 0 : i32
    %lt3A_25 = arith.cmpi slt, %select_n3A_19, %lt3A_24 : i32
    %ne3A_26 = arith.xori %lt3A_23, %lt3A_25 : i1
    %and3A_27 = arith.andi %ne3A_26, %ne3A_22 : i1
    %add3A = arith.addi %rem3A_20, %select_n3A_19 : i32
    %select_n3A_28 = arith.select %and3A_27, %add3A, %rem3A_20 : i32
    %c0_i32 = arith.constant 0 : i32
    %c0_i32_29 = arith.constant 0 : i32
    return %select_n3A, %select_n3A_28, %c0_i32 : i32, i32, i32
  }
  func.func @transform_2(%arg0: i32) -> (i32, i32) {
    %c0_i32 = arith.constant 0 : i32
    %c0_i32_0 = arith.constant 0 : i32
    return %arg0, %c0_i32 : i32, i32
  }
}

</mosaic_0001>

<sc_bundles>
// kernel: kernel.4.cloned.1.call-start
scs
__scs_entry_jumppad:
0x0: {  	(pc) =	sbr.rel $0x88, $3  }
0x1: {  	(tag) =	ssettag $0x0;
	lr =	simm.s32 $0x1  }
0x2: {  	[smem:$0x3F9F] =	sst lr;
	_ =	strace $0xD0000000  }
0x3: {  	_ = 	snop  }
0x4: {  	_ = 	snop  }
0x5: {  	_ = 	snop  }
0x6: {  	_ = 	snop  }
0x7: {  	_ = 	snop  }
__scs_overlays_trampoline_lowered:
0x8: {  	[smem:$0x3FAE] =	sst s0  }
0x9: {  	[smem:$0x3FAF] =	sst s1  }
0xa: {  	[smem:$0x3FB0] =	sst s2  }
0xb: {  	[smem:$0x3FB1] =	sst s3  }
0xc: {  	[smem:$0x3FB2] =	sst s4  }
0xd: {  	[smem:$0x3FB3] =	sst s5  }
0xe: {  	[smem:$0x3FB4] =	sst s6  }
0xf: {  	[smem:$0x3FB5] =	sst s7  }
0x10: {  	[smem:$0x3FB6] =	sst s8  }
0x11: {  	[smem:$0x3FB7] =	sst s9;
	s0 =	simm.s32 @!p0 $0x0  }
0x12: {  	s1 =	sld [smem:$0x3F9D];
	s0 =	simm.s32 @p0 $0x1  }
0x13: {  	[smem:$0x3FB8] =	sst s0;
	s0 =	simm.s32 @!p1 $0x0  }
0x14: {  	s2 =	sld [smem:$0x3F9C];
	s0 =	simm.s32 @p1 $0x1  }
0x15: {  	[smem:$0x3FB9] =	sst s0;
	s0 =	simm.s32 @!p2 $0x0  }
0x16: {  	s3 =	sld [smem:$0x3FDB];
	s0 =	simm.s32 @p2 $0x1  }
0x17: {  	s4 =	simm.s32 $0x1BF5;
	[smem:$0x3FBB] =	sst s0  }
0x18: {  	s0 =	sld [smem:$0x3F9E];
	_ =	swait.ge [sflag:s4], $0x0  }
0x19: {  	s7 =	sld [smem:$0x3F9F]  }
0x1a: {  	s8 =	sadd.s32 $0xFFFFE003, lr  }
0x1b: {  	s9 =	sadd.s32 $0xFFFFFEF7, lr;
	s5 =	simm.s32 $0xFFFFFFFF;
	p2 =	slt.u32 s8, $0xFFFFF086  }
0x1c: {  	p1 =	slt.u32 s9, $0xF7A;
	s5 =	simm.s32 @!p2 $0x0  }
0x1d: {  	s5 =	simm.s32 @p1 $0x1;
	p0 =	seq.s32 s7, s2  }
0x1e: {  	s7 =	smul.u32 @!p0 $0xF7A, s2;
	p2 =	seq.s32 @!p0 s5, $0x0  }
0x1f: {  	s9 =	smul.u32 $0xF7A, s1;
	s8 =	simm.s32 @!p0 $0x1BF5;
	p2 =	por !p2, p0  }
0x20: {  	[sflag:s8] =	ssyncset.s32 @!p0 $0xFFFFF086;
	s6 =	sadd.s32 @!p0 s3, s7;
	s7 =	simm.s32 @!p0 $0x108  }
0x21: {  	s3 =	sadd.s32 s3, s9;
	s6 =	sadd.s32 @!p0 $0x88, s6;
	s7 =	simm.s32 @p2 $0x1082  }
0x22: {  	[simem:s7], [sflag:s8] =	dma.local @!p0 [hbm:s6], $0xF7A  }
0x23: {  	s9 =	sor.u32 $0xD0000000, s2;
	s6 =	simm.s32 $0x108;
	_ =	swait.ge @!p0 [sflag:s8], $0x0  }
0x24: {  	s3 =	sadd.s32 $0x88, s3;
	s6 =	simm.s32 @!p1 $0x1082;
	[sflag:s4] =	ssyncset.s32 $0xFFFFF086  }
0x25: {  	[simem:s6], [sflag:s4] =	dma.local [hbm:s3], $0xF7A  }
0x26: {  	[smem:$0x3F9F] =	sst s1;
	(tag) =	ssettag s2;
	_ =	strace s9  }
0x27: {  	s1 =	sld [smem:$0x3FAF]  }
0x28: {  	s2 =	sld [smem:$0x3FB0]  }
0x29: {  	s4 =	sld [smem:$0x3FB2]  }
0x2a: {  	p0 =	seq.s32 s5, $0x0;
	s5 =	sld [smem:$0x3FB3]  }
0x2b: {  	s6 =	sld [smem:$0x3FB4]  }
0x2c: {  	s7 =	sld [smem:$0x3FB5]  }
0x2d: {  	s3 =	simm.s32 $0x108;
	s8 =	sld [smem:$0x3FB6]  }
0x2e: {  	s3 =	simm.s32 @!p0 $0x1082;
	s9 =	sld [smem:$0x3FB7]  }
0x2f: {  	lr =	sadd.s32 s0, s3;
	s0 =	sld [smem:$0x3FAE]  }
0x30: {  	s3 =	sld [smem:$0x3FB1]  }
0x31: {  	[smem:$0x3FBA] =	sst s10  }
0x32: {  	s10 =	sld [smem:$0x3FB8];
	_ =	sdelay $0x3  }
0x33: {  	p0 =	seq.s32 s10, $0x1;
	s10 =	sld [smem:$0x3FBA];
	_ =	sdelay $0x3  }
0x34: {  	[smem:$0x3FBA] =	sst s10  }
0x35: {  	s10 =	sld [smem:$0x3FB9];
	_ =	sdelay $0x3  }
0x36: {  	p1 =	seq.s32 s10, $0x1;
	s10 =	sld [smem:$0x3FBA];
	_ =	sdelay $0x3  }
0x37: {  	[smem:$0x3FBA] =	sst s10  }
0x38: {  	s10 =	sld [smem:$0x3FBB]  }
0x39: {  	_ = 	snop;
	(pc) =	sbr.ind lr, $3  }
0x3a: {  	_ = 	snop  }
0x3b: {  	_ = 	snop  }
0x3c: {  	p2 =	seq.s32 s10, $0x1;
	s10 =	sld [smem:$0x3FBA]  }
0x3d: {  	_ =	shalt  }
0x3e: {  	_ =	shalt  }
0x3f: {  	_ =	shalt  }
0x40: {  	_ =	shalt  }
0x41: {  	_ =	shalt  }
0x42: {  	_ =	shalt  }
0x43: {  	_ =	shalt  }
0x44: {  	_ =	shalt  }
0x45: {  	_ =	shalt  }
0x46: {  	_ =	shalt  }
0x47: {  	_ =	shalt  }
0x48: {  	_ =	shalt  }
0x49: {  	_ =	shalt  }
0x4a: {  	_ =	shalt  }
0x4b: {  	_ =	shalt  }
0x4c: {  	_ =	shalt  }
0x4d: {  	_ =	shalt  }
0x4e: {  	_ =	shalt  }
0x4f: {  	_ =	shalt  }
0x50: {  	_ =	shalt  }
0x51: {  	_ =	shalt  }
0x52: {  	_ =	shalt  }
0x53: {  	_ =	shalt  }
0x54: {  	_ =	shalt  }
0x55: {  	_ =	shalt  }
0x56: {  	_ =	shalt  }
0x57: {  	_ =	shalt  }
0x58: {  	_ =	shalt  }
0x59: {  	_ =	shalt  }
0x5a: {  	_ =	shalt  }
0x5b: {  	_ =	shalt  }
0x5c: {  	_ =	shalt  }
0x5d: {  	_ =	shalt  }
0x5e: {  	_ =	shalt  }
0x5f: {  	_ =	shalt  }
0x60: {  	_ =	shalt  }
0x61: {  	_ =	shalt  }
0x62: {  	_ =	shalt  }
0x63: {  	_ =	shalt  }
0x64: {  	_ =	shalt  }
0x65: {  	_ =	shalt  }
0x66: {  	_ =	shalt  }
0x67: {  	_ =	shalt  }
0x68: {  	_ =	shalt  }
0x69: {  	_ =	shalt  }
0x6a: {  	_ =	shalt  }
0x6b: {  	_ =	shalt  }
0x6c: {  	_ =	shalt  }
0x6d: {  	_ =	shalt  }
0x6e: {  	_ =	shalt  }
0x6f: {  	_ =	shalt  }
0x70: {  	_ =	shalt  }
0x71: {  	_ =	shalt  }
0x72: {  	_ =	shalt  }
0x73: {  	_ =	shalt  }
0x74: {  	_ =	shalt  }
0x75: {  	_ =	shalt  }
0x76: {  	_ =	shalt  }
0x77: {  	_ =	shalt  }
0x78: {  	_ =	shalt  }
0x79: {  	_ =	shalt  }
0x7a: {  	_ =	shalt  }
0x7b: {  	_ =	shalt  }
0x7c: {  	_ =	shalt  }
0x7d: {  	_ =	shalt  }
0x7e: {  	_ =	shalt  }
0x7f: {  	_ =	shalt  }
0x80: {  	_ =	shalt  }
0x81: {  	_ =	shalt  }
0x82: {  	_ =	shalt  }
0x83: {  	_ =	shalt  }
0x84: {  	_ =	shalt  }
0x85: {  	_ =	shalt  }
0x86: {  	_ =	shalt  }
0x87: {  	_ =	shalt  }
.Lfunc_end0:
.L_simem_size_0:
called_computation_lowered:
.L_overlay_start_0:
0x88: {  	s2 =	sld [smem:$0x3FD9]  }
0x89: {  	s3 =	sld [smem:$0x3FFE];
	_ =	sdelay $0x1  }
0x8a: {  	s1 =	srdreg.scid  }
0x8b: {  	s0 =	sand.u32 $0x1, s1  }
0x8c: {  	s16 =	sshll.u32 s0, $0xA;
	s2 =	sadd.s32 s3, s2  }
0x8d: {  	s2 =	sadd.s32 s2, s16  }
0x8e: {  	[smem:$0x3FC6] =	sst s2  }
0x8f: {  	_ = 	snop  }
0x90: {  	(tm) =	ssettm $0x1  }
0x91: {  	s17 =	sld [smem:$0x3FFB];
	_ =	sdelay $0x3  }
0x92: {  	_ =	strace s17  }
0x93: {  	s2 =	sld [smem:$0x3FFC];
	_ =	sdelay $0x3  }
0x94: {  	_ =	strace s2  }
0x95: {  	s2 =	sld [smem:$0x3FFD];
	_ =	sdelay $0x3  }
0x96: {  	_ =	strace s2  }
0x97: {  	_ =	strace $0x8FFFFFFF  }
0x98: {  	s18 =	sld [smem:$0x3FDB];
	_ =	sdelay $0x1  }
0x99: {  	s19 =	simm.s32 $_scs_section_size  }
0x9a: {  	s4 =	simm.s32 $_size__tile_overlayer_lowered;
	s5 =	simm.s32 $_tile_overlayer_lowered  }
0x9b: {  	s22 =	simm.s32 $0x1BFF;
	s21 =	sshll.u32 s5, $0x1;
	s2 =	sadd.s32 s19, s18  }
0x9c: {  	s6 =	simm.s32 $0x0;
	s20 =	sshll.u32 s4, $0x1;
	s4 =	sadd.s32 s21, s2  }
0x9d: {  	[timem:s6], [sflag:s22] =	dma.local [hbm:s4], s20  }
0x9e: {  	_ =	swait.ge [sflag:s22], s20  }
0x9f: {  	s3 =	ssub.s32 $0x0, s20;
	[sflag:s22] =	ssyncset.done $0x0  }
0xa0: {  	[sflag:s22] =	ssyncadd.s32 s3;
	_ =	sdelay $0x1  }
0xa1: {  	s23 =	simm.s32 $0x1B8B  }
0xa2: {  	_ =	swait.ge [sflag:s23], $0x1  }
0xa3: {  	[sflag:s23] =	ssyncset.done $0x0  }
0xa4: {  	s25 =	simm.s32 $0x1B8E;
	s24 =	sld [smem:$0x3FFE];
	[sflag:s23] =	ssyncadd.s32 $0xFFFFFFFF  }
0xa5: {  	s26 =	simm.s32 $execute0_lowered;
	[smem:$0x3FD2] =	sst s25  }
0xa6: {  	s4 =	sshll.u32 s26, $0x1;
	_ =	strace $0x80000046;
	[dreg:$0x1] =	wrdreg $0xFFFFFFFF  }
0xa7: {  	s28 =	simm.s32 $_size_execute0_lowered;
	s2 =	sadd.s32 s2, s4;
	[dreg:$0x0] =	wrdreg $0x0  }
0xa8: {  	s4 =	sshll.u32 s28, $0x1;
	[dreg:$0x2] =	wrdreg s2  }
0xa9: {  	[dreg:$0x3] =	wrdreg s4  }
0xaa: {  	[dreg:$0x4] =	wrdreg $0xC0  }
0xab: {  	_ =	task [dreg:s6], $0x5FFFF  }
0xac: {  	[dreg:$0x1] =	wrdreg $0xFFFFFFFF  }
0xad: {  	[dreg:$0x0] =	wrdreg $0x60  }
0xae: {  	[dreg:$0x2] =	wrdreg s24  }
0xaf: {  	[dreg:$0x3] =	wrdreg $0x9  }
0xb0: {  	_ =	task.clear_ibuf [dreg:s6], $0x4FFFF;
	_ =	strace $0x90000046  }
0xb1: {  	s29 =	simm.s32 $0x9;
	_ =	strace $0x80000048  }
0xb2: {  	_ =	swait.ge [sflag:s29], $0x1  }
0xb3: {  	[sflag:s29] =	ssyncadd.s32 $0xFFFFFFFF  }
0xb4: {  	_ =	strace $0x90000048  }
0xb5: {  	_ =	sfence  }
0xb6: {  	s30 =	sld [smem:$0x0];
	_ =	sdelay $0x2  }
0xb7: {  	s31 =	sshll.u32 s1, $0xD;
	s1 =	sshrl.u32 s1, $0x2  }
0xb8: {  	s3 =	sand.u32 $0x4000, s31;
	s1 =	sadd.s32 s1, s30  }
0xb9: {  	s0 =	sor.u32 s3, s0;
	s1 =	sshll.u32 s1, $0x11  }
0xba: {  	s0 =	sor.u32 s1, s0  }
0xbb: {  	s0 =	sadd.s32 $0x8F2B, s0  }
0xbc: {  	[sflag:s0] =	ssyncadd.remote.s32 $0x1  }
0xbd: {  	_ =	sfence.sel $0xFFFF  }
0xbe: {  	[dreg:$0x0] =	wrdreg $0xFFFFFFFF;
	(pc) =	sbr.abs _section_cstart, $3  }
0xbf: {  	[dreg:$0x1] =	wrdreg $0xFFFFFFFF  }
0xc0: {  	_ =	task.clear_ibuf [dreg:s6], $0x2FFFF;
	_ =	strace $0x9FFFFFFF  }
0xc1: {  	(tm) =	ssettm $0x7FFFFFFF  }
tec
execute0_lowered:
.L_overlay_start_1:
0x0: {  	(tag) =	ssettag $0x1  }
0x1: {  	s3 =	rddreg [dreg:$0x0]  }
0x2: {  	s0 =	rddreg [dreg:$0x1]  }
0x3: {  	s2 =	simm.s32 $0x0;
	s4 =	srdreg.scid;
	s1 =	stileid.u32  }
0x4: {  	[smem:$0x7FF] =	sst s2;
	s4 =	sand.u32 $0x1, s4;
	s5 =	sshll.u32 s1, $0x1  }
0x5: {  	s8 =	simm.s32 $0x0;
	_ =	strace $0x80000047;
	s5 =	sor.u32 s4, s5  }
0x6: {  	s4 =	ssub.s32 $0x2, s4;
	s6 =	sshll.u32 s5, $0xC;
	s5 =	sshll.u32 s5, $0x5  }
0x7: {  	s7 =	sshrl.u32 s4, $0x1;
	s6 =	sadd.s32 s6, s3;
	s5 =	sadd.s32 s5, s3  }
0x8: {  	s7 =	ssub.s32 s4, s7;
	s3 =	sadd.s32 $0x200, s6;
	s4 =	sadd.s32 $0x20200, s5  }
0x9: {  	v0 =	vimm.f32 $0.0e+00;
	s5 =	smax.u32 s7, $0x1;
	s6 =	simm.s32 $0x1;
	s7 =	simm.s32 $0x8000  }
.LBB2_1:
0xa: {  	[tilespmem:s2], [sflag:$0x1] =	stream.linear.gather [hbm4b:s3+s2], $0x8000, $0x38;
	[tilespmem:$0x8100] =	vst v63  }
0xb: {  	_ =	swait.ge [sflag:s6], $0x8000  }
0xc: {  	[sflag:s6] =	ssyncset.done $0x0  }
0xd: {  	s10 =	simm.s32 $0x0;
	[sflag:s6] =	ssyncadd.s32 $0xFFFF8000  }
0xe: {  	v3 =	vld [tilespmem:s10+$0x0]  }
0xf: {  	s9 =	simm.s32 $0x40;
	v1 =	vimm.f32 $0.0e+00;
	v2 =	vimm.f32 $0.0e+00  }
.LBB2_2:
0x10: {  	p0 =	sne.s32 s9, $0x1FFC0  }
.Ltmp0:
0x11: {  	_ = 	snop;
	(pc) =	sbr.rel @p0 .LBB2_2-.Ltmp0, $4  }
0x12: {  	_ = 	snop  }
0x13: {  	s10 =	sshra.s32 s9, $0x2;
	s9 =	sadd.s32 $0x40, s9;
	vm0 =	vgt.f32 v3, $3.566749390e-01  }
0x14: {  	v4 =	vsel vm0, $0x3F800000, v0;
	v5 =	vnsel vm0, $0x0, v3;
	v3 =	vld [tilespmem:s10+$0x0]  }
0x15: {  	v1 =	vadd.f32 v4, v1;
	v2 =	vadd.f32 v5, v2  }
0x16: {  	_ =	sdelay $0x2  }
0x17: {  	vm0 =	vgt.f32 v3, $3.566749390e-01  }
0x18: {  	v4 =	vsel vm0, $0x3F800000, v0  }
0x19: {  	v3 =	vnsel vm0, $0x0, v3;
	v1 =	vadd.f32 v4, v1  }
0x1a: {  	s8 =	sadd.s32 $0x1, s8;
	v2 =	vadd.f32 v3, v2  }
0x1b: {  	p0 =	sne.s32 s8, s5;
	[tilespmem:$0x8000] =	vst v1  }
.Ltmp1:
0x1c: {  	[tilespmem:$0x8080] =	vst v2;
	(pc) =	sbr.rel @p0 .LBB2_1-.Ltmp1, $4  }
0x1d: {  	[hbm4b:s4+s2] =	stream.linear.scatter [tilespmem:s7], [sflag:$0x1], $0x100, $0x38;
	[tilespmem:$0x8100] =	vst v63  }
0x1e: {  	_ =	swait.ge [sflag:s6], $0x100  }
0x1f: {  	[sflag:s6] =	ssyncset.done $0x0  }
0x20: {  	[sflag:s6] =	ssyncadd.s32 $0xFFFFFF00  }
0x21: {  	_ =	sfence.sel $0x180000  }
0x22: {  	[bflag:$0x0] =	sbarrier.arrive $0xFFFF  }
0x23: {  	p0 =	sne.s32 s1, $0x0;
	_ =	strace $0x90000047  }
0x24: {  	s0 =	sadd.s32 @!p0 $0x100000, s0;
	[bflag:$0x2] =	sbarrier.arrive $0xFFFF  }
0x25: {  	[sflag:s0] =	ssyncadd.tile.s32 @!p0 $0x1;
	_ =	shalt  }
.Lfunc_end2:
_tile_overlayer_lowered:
.L_overlay_start_2:
0x26: {  	(tag) =	ssettag $0x2  }
0x27: {  	s0 =	rddreg [dreg:$0x0];
	s2 =	stileid.u32  }
0x28: {  	s1 =	rddreg [dreg:$0x1];
	p0 =	sne.s32 s2, $0x0  }
0x29: {  	s3 =	rddreg [dreg:$0x2];
	[bflag:$0x3] =	sbarrier.arrive $0xFFFF;
	s2 =	simm.s32 @!p0 $0x1C01  }
0x2a: {  	[timem:s3], [sflag:s2] =	dma.local @!p0 [hbm:s0], s1  }
0x2b: {  	s0 =	simm.s32 @!p0 $0x1  }
0x2c: {  	_ =	swait.ge @!p0 [sflag:s0], s1  }
0x2d: {  	s1 =	ssub.s32 @!p0 $0x0, s1;
	[sflag:s0] =	ssyncset.done @!p0 $0x0  }
0x2e: {  	[sflag:s0] =	ssyncadd.s32 @!p0 s1  }
0x2f: {  	[bflag:$0x3] =	sbarrier.arrive $0xFFFF  }
0x30: {  	_ =	shalt  }

</sc_bundles>
